<compile_context>
chip_gen: v7x
topology: tpu7x:2x2x1
jax: 0.10.2.dev20260603
libtpu: 0.0.44.dev20260713+nightly
codegen_flags: <defaults>
</compile_context>

<pallas_src>
import functools

import jax
import jax.numpy as jnp
from jax import lax
from jax.experimental import pallas as pl
from jax.experimental.pallas import tpu as pltpu
from jax.experimental.pallas import tpu_sc as plsc

VOCAB = 100000
DIM = 2048
TOTAL = 4 * 4096

NC, NS = 2, 16
NW = NC * NS
BPW = TOTAL // NW
CHUNK = 16
NBUF = 2
NCH = BPW // CHUNK
NGRP = NCH // NBUF


def _emb_kernel(ids_hbm, table_hbm, out_hbm, idx_v, bufs, *sems):
    gsems = list(sems[:NBUF])
    ssems = list(sems[NBUF:])
    wid = lax.axis_index("s") * NC + lax.axis_index("c")
    base = wid * BPW

    pltpu.sync_copy(ids_hbm.at[pl.ds(base, BPW)], idx_v)

    def start_gather(j, b):
        off = pl.multiple_of(j * CHUNK, 8)
        pltpu.async_copy(
            table_hbm.at[idx_v.at[pl.ds(off, CHUNK)]], bufs.at[b], gsems[b])

    def wait_gather(b):
        pltpu.make_async_copy(
            table_hbm.at[pl.ds(0, CHUNK)], bufs.at[b], gsems[b]).wait()

    def start_scatter(j, b):
        row = pl.multiple_of(base + j * CHUNK, 8)
        pltpu.async_copy(bufs.at[b], out_hbm.at[pl.ds(row, CHUNK)], ssems[b])

    def wait_scatter(b):
        pltpu.make_async_copy(
            bufs.at[b], out_hbm.at[pl.ds(0, CHUNK)], ssems[b]).wait()

    for b in range(NBUF):
        start_gather(b, b)

    def group(g, carry):
        for b in range(NBUF):
            j = g * NBUF + b
            wait_gather(b)
            start_scatter(j, b)
            wait_scatter(b)
            start_gather(j + NBUF, b)
        return carry

    lax.fori_loop(0, NGRP - 1, group, 0)

    for b in range(NBUF):
        j = (NGRP - 1) * NBUF + b
        wait_gather(b)
        start_scatter(j, b)
        wait_scatter(b)


@jax.jit
def _lookup(ids_flat, table):
    mesh = plsc.VectorSubcoreMesh(core_axis_name="c", subcore_axis_name="s")
    fn = functools.partial(
        pl.kernel,
        out_type=jax.ShapeDtypeStruct((TOTAL, DIM), jnp.float32),
        mesh=mesh,
        scratch_types=[
            pltpu.VMEM((BPW,), jnp.int32),
            pltpu.VMEM((NBUF, CHUNK, DIM), jnp.float32),
        ] + [pltpu.SemaphoreType.DMA] * (2 * NBUF),
    )(_emb_kernel)
    return fn(ids_flat, table)


def kernel(input_ids, token_embeddings):
    ids_flat = input_ids.reshape(-1).astype(jnp.int32)
    out = _lookup(ids_flat, token_embeddings)
    return out.reshape(input_ids.shape + (token_embeddings.shape[1],))

# --- scband reference (transcript-rebuilt; emitter-appended) ---
"""Pipeline reference for scband-lla-da-embedding-layer-35321811043014 (READ-ONLY COPY).

The authoritative reference and input builder live on the scoring server;
editing this copy changes nothing except your own understanding.
"""

import jax, jax.numpy as jnp
import numpy as np

VOCAB_SIZE = 100000
HIDDEN_DIM = 2048
PAD_TOKEN_ID = 0
BATCH = 4
SEQ_LEN = 4096


def setup_inputs(seed: int = 0) -> dict:
    key = jax.random.key(seed)
    k_ids, k_tab = jax.random.split(key)
    input_ids = jax.random.randint(k_ids, (BATCH, SEQ_LEN), 0, VOCAB_SIZE, dtype=jnp.int64 if jax.config.jax_enable_x64 else jnp.int32).astype(jnp.int32)
    token_embeddings = jax.random.normal(k_tab, (VOCAB_SIZE, HIDDEN_DIM), dtype=jnp.float32)
    # nn.Embedding with padding_idx initializes the pad row to zeros
    token_embeddings = token_embeddings.at[PAD_TOKEN_ID].set(0.0)
    return {"input_ids": input_ids, "token_embeddings": token_embeddings}


def reference(input_ids, token_embeddings):
    # x = self.token_embeddings(input_ids)
    x = jnp.take(token_embeddings, input_ids, axis=0)
    return x

if __name__ == "__main__":
    import jax
    _d = setup_inputs()
    print(jax.jit(kernel)(*tuple(_d.values())))

</pallas_src>

<mosaic_0001>
#map = affine_map<(d0, d1) -> (0)>
#map1 = affine_map<(d0, d1) -> (0, 0)>
module attributes {stable_mosaic.version = 14 : i64} {
  func.func @_emb_kernel(%arg0: i32, %arg1: i32, %arg2: memref<16384xi32, #tpu.memory_space<hbm>>, %arg3: memref<100000x2048xf32, #tpu.memory_space<hbm>>, %arg4: memref<16384x2048xf32, #tpu.memory_space<hbm>>, %arg5: memref<512xi32, #tpu.memory_space<vmem>>, %arg6: memref<2x16x2048xf32, #tpu.memory_space<vmem>>, %arg7: memref<!tpu.dma_semaphore, #tpu.memory_space<semaphore_mem>>, %arg8: memref<!tpu.dma_semaphore, #tpu.memory_space<semaphore_mem>>, %arg9: memref<!tpu.dma_semaphore, #tpu.memory_space<semaphore_mem>>, %arg10: memref<!tpu.dma_semaphore, #tpu.memory_space<semaphore_mem>>) attributes {dimension_semantics = [#tpu.dimension_semantics<core_parallel>, #tpu.dimension_semantics<subcore_parallel>], iteration_bounds = array<i64: 2, 16>, scalar_prefetch = 0 : i64, scratch_operands = 6 : i64, tpu.core_type = #tpu.core_type<sc_vector_subcore>, window_params = [{transform_indices = #map}, {transform_indices = #map1}, {transform_indices = #map1}]} {
    %mul3A = arith.constant 2 : i32
    %mul3A_0 = arith.muli %arg1, %mul3A : i32
    %add3A = arith.addi %mul3A_0, %arg0 : i32
    %mul3A_1 = arith.constant 512 : i32
    %mul3A_2 = arith.muli %add3A, %mul3A_1 : i32
    "tpu.region"() ({
      %run_scoped3A = tpu.sem_alloc : memref<!tpu.dma_semaphore, #tpu.memory_space<semaphore_mem>>
      %dma_start3A_119 = tpu.memref_slice %arg2[%mul3A_2] : memref<16384xi32, #tpu.memory_space<hbm>> -> memref<512xi32, #tpu.memory_space<hbm>>
      %dma_start3A_120 = tpu.memref_slice %arg2[%mul3A_2] : memref<16384xi32, #tpu.memory_space<hbm>> -> memref<512xi32, #tpu.memory_space<hbm>>
      tpu.enqueue_dma source(%dma_start3A_120 : memref<512xi32, #tpu.memory_space<hbm>>) target(%arg5 : memref<512xi32, #tpu.memory_space<vmem>>) target_semaphore(%run_scoped3A : memref<!tpu.dma_semaphore, #tpu.memory_space<semaphore_mem>>)
      %dma_wait3A_121 = tpu.memref_slice %arg2[%mul3A_2] : memref<16384xi32, #tpu.memory_space<hbm>> -> memref<512xi32, #tpu.memory_space<hbm>>
      %dma_wait3A_122 = tpu.memref_slice %arg2[%mul3A_2] : memref<16384xi32, #tpu.memory_space<hbm>> -> memref<512xi32, #tpu.memory_space<hbm>>
      tpu.wait_dma2 semaphore(%run_scoped3A : memref<!tpu.dma_semaphore, #tpu.memory_space<semaphore_mem>>) src(%dma_wait3A_122 : memref<512xi32, #tpu.memory_space<hbm>>) dst(%arg5 : memref<512xi32, #tpu.memory_space<vmem>>)
      tpu.yield
    }) : () -> ()
    %multiple_of3A = arith.constant 0 : i32
    %multiple_of3A_3 = tpu.assume_multiple %multiple_of3A, 8 : i32
    %dma_start3A = arith.constant 0 : i32
    %dma_start3A_4 = arith.constant 0 : i32
    %dma_start3A_5 = arith.constant 0 : i32
    %dma_start3A_6 = tpu.memref_slice %arg6[%dma_start3A, %dma_start3A_4, %dma_start3A_5] : memref<2x16x2048xf32, #tpu.memory_space<vmem>> -> memref<1x16x2048xf32, #tpu.memory_space<vmem>>
    %dma_start3A_7 = tpu.memref_squeeze %dma_start3A_6 : memref<1x16x2048xf32, #tpu.memory_space<vmem>> -> memref<16x2048xf32, #tpu.memory_space<vmem>>
    %dma_start3A_8 = tpu.memref_slice %arg5[%multiple_of3A_3] : memref<512xi32, #tpu.memory_space<vmem>> -> memref<16xi32, #tpu.memory_space<vmem>>
    %dma_start3A_9 = arith.constant 0 : i32
    %dma_start3A_10 = arith.constant 0 : i32
    %dma_start3A_11 = tpu.memref_slice %arg3[%dma_start3A_9, %dma_start3A_10] : memref<100000x2048xf32, #tpu.memory_space<hbm>> -> memref<100000x2048xf32, #tpu.memory_space<hbm>>
    tpu.enqueue_indirect_dma source(%dma_start3A_11 : memref<100000x2048xf32, #tpu.memory_space<hbm>>) target(%dma_start3A_7 : memref<16x2048xf32, #tpu.memory_space<vmem>>) offsets(%dma_start3A_8 : memref<16xi32, #tpu.memory_space<vmem>>) semaphore(%arg7 : memref<!tpu.dma_semaphore, #tpu.memory_space<semaphore_mem>>)
    %multiple_of3A_12 = arith.constant 16 : i32
    %multiple_of3A_13 = tpu.assume_multiple %multiple_of3A_12, 8 : i32
    %dma_start3A_14 = arith.constant 1 : i32
    %dma_start3A_15 = arith.constant 0 : i32
    %dma_start3A_16 = arith.constant 0 : i32
    %dma_start3A_17 = tpu.memref_slice %arg6[%dma_start3A_14, %dma_start3A_15, %dma_start3A_16] : memref<2x16x2048xf32, #tpu.memory_space<vmem>> -> memref<1x16x2048xf32, #tpu.memory_space<vmem>>
    %dma_start3A_18 = tpu.memref_squeeze %dma_start3A_17 : memref<1x16x2048xf32, #tpu.memory_space<vmem>> -> memref<16x2048xf32, #tpu.memory_space<vmem>>
    %dma_start3A_19 = tpu.memref_slice %arg5[%multiple_of3A_13] : memref<512xi32, #tpu.memory_space<vmem>> -> memref<16xi32, #tpu.memory_space<vmem>>
    %dma_start3A_20 = arith.constant 0 : i32
    %dma_start3A_21 = arith.constant 0 : i32
    %dma_start3A_22 = tpu.memref_slice %arg3[%dma_start3A_20, %dma_start3A_21] : memref<100000x2048xf32, #tpu.memory_space<hbm>> -> memref<100000x2048xf32, #tpu.memory_space<hbm>>
    tpu.enqueue_indirect_dma source(%dma_start3A_22 : memref<100000x2048xf32, #tpu.memory_space<hbm>>) target(%dma_start3A_18 : memref<16x2048xf32, #tpu.memory_space<vmem>>) offsets(%dma_start3A_19 : memref<16xi32, #tpu.memory_space<vmem>>) semaphore(%arg8 : memref<!tpu.dma_semaphore, #tpu.memory_space<semaphore_mem>>)
    %scan3A = arith.constant 0 : i32
    %scan3A_23 = arith.constant 0 : i32
    %scan3A_24 = arith.constant 15 : i32
    %scan3A_25 = arith.addi %scan3A_23, %scan3A_24 : i32
    %scan3A_26 = arith.constant 1 : i32
    scf.for %scan3A_119 = %scan3A_23 to %scan3A_25 step %scan3A_26  : i32 {
      %mul3A_120 = arith.constant 2 : i32
      %mul3A_121 = arith.muli %scan3A_119, %mul3A_120 : i32
      %add3A_122 = arith.constant 0 : i32
      %add3A_123 = arith.addi %mul3A_121, %add3A_122 : i32
      %dma_wait3A_124 = arith.constant 0 : i32
      %dma_wait3A_125 = arith.constant 0 : i32
      %dma_wait3A_126 = arith.constant 0 : i32
      %dma_wait3A_127 = tpu.memref_slice %arg6[%dma_wait3A_124, %dma_wait3A_125, %dma_wait3A_126] : memref<2x16x2048xf32, #tpu.memory_space<vmem>> -> memref<1x16x2048xf32, #tpu.memory_space<vmem>>
      %dma_wait3A_128 = tpu.memref_squeeze %dma_wait3A_127 : memref<1x16x2048xf32, #tpu.memory_space<vmem>> -> memref<16x2048xf32, #tpu.memory_space<vmem>>
      %dma_wait3A_129 = arith.constant 0 : i32
      %dma_wait3A_130 = arith.constant 0 : i32
      %dma_wait3A_131 = tpu.memref_slice %arg3[%dma_wait3A_129, %dma_wait3A_130] : memref<100000x2048xf32, #tpu.memory_space<hbm>> -> memref<16x2048xf32, #tpu.memory_space<hbm>>
      %dma_wait3A_132 = arith.constant 0 : i32
      %dma_wait3A_133 = arith.constant 0 : i32
      %dma_wait3A_134 = tpu.memref_slice %arg6[%dma_wait3A_124, %dma_wait3A_132, %dma_wait3A_133] : memref<2x16x2048xf32, #tpu.memory_space<vmem>> -> memref<1x16x2048xf32, #tpu.memory_space<vmem>>
      %dma_wait3A_135 = tpu.memref_squeeze %dma_wait3A_134 : memref<1x16x2048xf32, #tpu.memory_space<vmem>> -> memref<16x2048xf32, #tpu.memory_space<vmem>>
      %dma_wait3A_136 = arith.constant 0 : i32
      %dma_wait3A_137 = arith.constant 0 : i32
      %dma_wait3A_138 = tpu.memref_slice %arg3[%dma_wait3A_136, %dma_wait3A_137] : memref<100000x2048xf32, #tpu.memory_space<hbm>> -> memref<16x2048xf32, #tpu.memory_space<hbm>>
      tpu.wait_dma2 semaphore(%arg7 : memref<!tpu.dma_semaphore, #tpu.memory_space<semaphore_mem>>) src(%dma_wait3A_138 : memref<16x2048xf32, #tpu.memory_space<hbm>>) dst(%dma_wait3A_135 : memref<16x2048xf32, #tpu.memory_space<vmem>>)
      %mul3A_139 = arith.constant 16 : i32
      %mul3A_140 = arith.muli %add3A_123, %mul3A_139 : i32
      %add3A_141 = arith.addi %mul3A_2, %mul3A_140 : i32
      %multiple_of3A_142 = tpu.assume_multiple %add3A_141, 8 : i32
      %dma_start3A_143 = arith.constant 0 : i32
      %dma_start3A_144 = arith.constant 0 : i32
      %dma_start3A_145 = arith.constant 0 : i32
      %dma_start3A_146 = tpu.memref_slice %arg6[%dma_start3A_143, %dma_start3A_144, %dma_start3A_145] : memref<2x16x2048xf32, #tpu.memory_space<vmem>> -> memref<1x16x2048xf32, #tpu.memory_space<vmem>>
      %dma_start3A_147 = tpu.memref_squeeze %dma_start3A_146 : memref<1x16x2048xf32, #tpu.memory_space<vmem>> -> memref<16x2048xf32, #tpu.memory_space<vmem>>
      %dma_start3A_148 = arith.constant 0 : i32
      %dma_start3A_149 = tpu.memref_slice %arg4[%multiple_of3A_142, %dma_start3A_148] : memref<16384x2048xf32, #tpu.memory_space<hbm>> -> memref<16x2048xf32, #tpu.memory_space<hbm>>
      %dma_start3A_150 = arith.constant 0 : i32
      %dma_start3A_151 = tpu.memref_slice %arg4[%multiple_of3A_142, %dma_start3A_150] : memref<16384x2048xf32, #tpu.memory_space<hbm>> -> memref<16x2048xf32, #tpu.memory_space<hbm>>
      %dma_start3A_152 = arith.constant 0 : i32
      %dma_start3A_153 = arith.constant 0 : i32
      %dma_start3A_154 = tpu.memref_slice %arg6[%dma_start3A_143, %dma_start3A_152, %dma_start3A_153] : memref<2x16x2048xf32, #tpu.memory_space<vmem>> -> memref<1x16x2048xf32, #tpu.memory_space<vmem>>
      %dma_start3A_155 = tpu.memref_squeeze %dma_start3A_154 : memref<1x16x2048xf32, #tpu.memory_space<vmem>> -> memref<16x2048xf32, #tpu.memory_space<vmem>>
      tpu.enqueue_dma source(%dma_start3A_155 : memref<16x2048xf32, #tpu.memory_space<vmem>>) target(%dma_start3A_151 : memref<16x2048xf32, #tpu.memory_space<hbm>>) target_semaphore(%arg9 : memref<!tpu.dma_semaphore, #tpu.memory_space<semaphore_mem>>)
      %dma_wait3A_156 = arith.constant 0 : i32
      %dma_wait3A_157 = arith.constant 0 : i32
      %dma_wait3A_158 = arith.constant 0 : i32
      %dma_wait3A_159 = tpu.memref_slice %arg6[%dma_wait3A_156, %dma_wait3A_157, %dma_wait3A_158] : memref<2x16x2048xf32, #tpu.memory_space<vmem>> -> memref<1x16x2048xf32, #tpu.memory_space<vmem>>
      %dma_wait3A_160 = tpu.memref_squeeze %dma_wait3A_159 : memref<1x16x2048xf32, #tpu.memory_space<vmem>> -> memref<16x2048xf32, #tpu.memory_space<vmem>>
      %dma_wait3A_161 = arith.constant 0 : i32
      %dma_wait3A_162 = arith.constant 0 : i32
      %dma_wait3A_163 = tpu.memref_slice %arg4[%dma_wait3A_161, %dma_wait3A_162] : memref<16384x2048xf32, #tpu.memory_space<hbm>> -> memref<16x2048xf32, #tpu.memory_space<hbm>>
      %dma_wait3A_164 = arith.constant 0 : i32
      %dma_wait3A_165 = arith.constant 0 : i32
      %dma_wait3A_166 = tpu.memref_slice %arg4[%dma_wait3A_164, %dma_wait3A_165] : memref<16384x2048xf32, #tpu.memory_space<hbm>> -> memref<16x2048xf32, #tpu.memory_space<hbm>>
      %dma_wait3A_167 = arith.constant 0 : i32
      %dma_wait3A_168 = arith.constant 0 : i32
      %dma_wait3A_169 = tpu.memref_slice %arg6[%dma_wait3A_156, %dma_wait3A_167, %dma_wait3A_168] : memref<2x16x2048xf32, #tpu.memory_space<vmem>> -> memref<1x16x2048xf32, #tpu.memory_space<vmem>>
      %dma_wait3A_170 = tpu.memref_squeeze %dma_wait3A_169 : memref<1x16x2048xf32, #tpu.memory_space<vmem>> -> memref<16x2048xf32, #tpu.memory_space<vmem>>
      tpu.wait_dma2 semaphore(%arg9 : memref<!tpu.dma_semaphore, #tpu.memory_space<semaphore_mem>>) src(%dma_wait3A_170 : memref<16x2048xf32, #tpu.memory_space<vmem>>) dst(%dma_wait3A_166 : memref<16x2048xf32, #tpu.memory_space<hbm>>)
      %add3A_171 = arith.constant 2 : i32
      %add3A_172 = arith.addi %add3A_123, %add3A_171 : i32
      %mul3A_173 = arith.constant 16 : i32
      %mul3A_174 = arith.muli %add3A_172, %mul3A_173 : i32
      %multiple_of3A_175 = tpu.assume_multiple %mul3A_174, 8 : i32
      %dma_start3A_176 = arith.constant 0 : i32
      %dma_start3A_177 = arith.constant 0 : i32
      %dma_start3A_178 = arith.constant 0 : i32
      %dma_start3A_179 = tpu.memref_slice %arg6[%dma_start3A_176, %dma_start3A_177, %dma_start3A_178] : memref<2x16x2048xf32, #tpu.memory_space<vmem>> -> memref<1x16x2048xf32, #tpu.memory_space<vmem>>
      %dma_start3A_180 = tpu.memref_squeeze %dma_start3A_179 : memref<1x16x2048xf32, #tpu.memory_space<vmem>> -> memref<16x2048xf32, #tpu.memory_space<vmem>>
      %dma_start3A_181 = tpu.memref_slice %arg5[%multiple_of3A_175] : memref<512xi32, #tpu.memory_space<vmem>> -> memref<16xi32, #tpu.memory_space<vmem>>
      %dma_start3A_182 = arith.constant 0 : i32
      %dma_start3A_183 = arith.constant 0 : i32
      %dma_start3A_184 = tpu.memref_slice %arg3[%dma_start3A_182, %dma_start3A_183] : memref<100000x2048xf32, #tpu.memory_space<hbm>> -> memref<100000x2048xf32, #tpu.memory_space<hbm>>
      tpu.enqueue_indirect_dma source(%dma_start3A_184 : memref<100000x2048xf32, #tpu.memory_space<hbm>>) target(%dma_start3A_180 : memref<16x2048xf32, #tpu.memory_space<vmem>>) offsets(%dma_start3A_181 : memref<16xi32, #tpu.memory_space<vmem>>) semaphore(%arg7 : memref<!tpu.dma_semaphore, #tpu.memory_space<semaphore_mem>>)
      %mul3A_185 = arith.constant 2 : i32
      %mul3A_186 = arith.muli %scan3A_119, %mul3A_185 : i32
      %add3A_187 = arith.constant 1 : i32
      %add3A_188 = arith.addi %mul3A_186, %add3A_187 : i32
      %dma_wait3A_189 = arith.constant 1 : i32
      %dma_wait3A_190 = arith.constant 0 : i32
      %dma_wait3A_191 = arith.constant 0 : i32
      %dma_wait3A_192 = tpu.memref_slice %arg6[%dma_wait3A_189, %dma_wait3A_190, %dma_wait3A_191] : memref<2x16x2048xf32, #tpu.memory_space<vmem>> -> memref<1x16x2048xf32, #tpu.memory_space<vmem>>
      %dma_wait3A_193 = tpu.memref_squeeze %dma_wait3A_192 : memref<1x16x2048xf32, #tpu.memory_space<vmem>> -> memref<16x2048xf32, #tpu.memory_space<vmem>>
      %dma_wait3A_194 = arith.constant 0 : i32
      %dma_wait3A_195 = arith.constant 0 : i32
      %dma_wait3A_196 = tpu.memref_slice %arg3[%dma_wait3A_194, %dma_wait3A_195] : memref<100000x2048xf32, #tpu.memory_space<hbm>> -> memref<16x2048xf32, #tpu.memory_space<hbm>>
      %dma_wait3A_197 = arith.constant 0 : i32
      %dma_wait3A_198 = arith.constant 0 : i32
      %dma_wait3A_199 = tpu.memref_slice %arg6[%dma_wait3A_189, %dma_wait3A_197, %dma_wait3A_198] : memref<2x16x2048xf32, #tpu.memory_space<vmem>> -> memref<1x16x2048xf32, #tpu.memory_space<vmem>>
      %dma_wait3A_200 = tpu.memref_squeeze %dma_wait3A_199 : memref<1x16x2048xf32, #tpu.memory_space<vmem>> -> memref<16x2048xf32, #tpu.memory_space<vmem>>
      %dma_wait3A_201 = arith.constant 0 : i32
      %dma_wait3A_202 = arith.constant 0 : i32
      %dma_wait3A_203 = tpu.memref_slice %arg3[%dma_wait3A_201, %dma_wait3A_202] : memref<100000x2048xf32, #tpu.memory_space<hbm>> -> memref<16x2048xf32, #tpu.memory_space<hbm>>
      tpu.wait_dma2 semaphore(%arg8 : memref<!tpu.dma_semaphore, #tpu.memory_space<semaphore_mem>>) src(%dma_wait3A_203 : memref<16x2048xf32, #tpu.memory_space<hbm>>) dst(%dma_wait3A_200 : memref<16x2048xf32, #tpu.memory_space<vmem>>)
      %mul3A_204 = arith.constant 16 : i32
      %mul3A_205 = arith.muli %add3A_188, %mul3A_204 : i32
      %add3A_206 = arith.addi %mul3A_2, %mul3A_205 : i32
      %multiple_of3A_207 = tpu.assume_multiple %add3A_206, 8 : i32
      %dma_start3A_208 = arith.constant 1 : i32
      %dma_start3A_209 = arith.constant 0 : i32
      %dma_start3A_210 = arith.constant 0 : i32
      %dma_start3A_211 = tpu.memref_slice %arg6[%dma_start3A_208, %dma_start3A_209, %dma_start3A_210] : memref<2x16x2048xf32, #tpu.memory_space<vmem>> -> memref<1x16x2048xf32, #tpu.memory_space<vmem>>
      %dma_start3A_212 = tpu.memref_squeeze %dma_start3A_211 : memref<1x16x2048xf32, #tpu.memory_space<vmem>> -> memref<16x2048xf32, #tpu.memory_space<vmem>>
      %dma_start3A_213 = arith.constant 0 : i32
      %dma_start3A_214 = tpu.memref_slice %arg4[%multiple_of3A_207, %dma_start3A_213] : memref<16384x2048xf32, #tpu.memory_space<hbm>> -> memref<16x2048xf32, #tpu.memory_space<hbm>>
      %dma_start3A_215 = arith.constant 0 : i32
      %dma_start3A_216 = tpu.memref_slice %arg4[%multiple_of3A_207, %dma_start3A_215] : memref<16384x2048xf32, #tpu.memory_space<hbm>> -> memref<16x2048xf32, #tpu.memory_space<hbm>>
      %dma_start3A_217 = arith.constant 0 : i32
      %dma_start3A_218 = arith.constant 0 : i32
      %dma_start3A_219 = tpu.memref_slice %arg6[%dma_start3A_208, %dma_start3A_217, %dma_start3A_218] : memref<2x16x2048xf32, #tpu.memory_space<vmem>> -> memref<1x16x2048xf32, #tpu.memory_space<vmem>>
      %dma_start3A_220 = tpu.memref_squeeze %dma_start3A_219 : memref<1x16x2048xf32, #tpu.memory_space<vmem>> -> memref<16x2048xf32, #tpu.memory_space<vmem>>
      tpu.enqueue_dma source(%dma_start3A_220 : memref<16x2048xf32, #tpu.memory_space<vmem>>) target(%dma_start3A_216 : memref<16x2048xf32, #tpu.memory_space<hbm>>) target_semaphore(%arg10 : memref<!tpu.dma_semaphore, #tpu.memory_space<semaphore_mem>>)
      %dma_wait3A_221 = arith.constant 1 : i32
      %dma_wait3A_222 = arith.constant 0 : i32
      %dma_wait3A_223 = arith.constant 0 : i32
      %dma_wait3A_224 = tpu.memref_slice %arg6[%dma_wait3A_221, %dma_wait3A_222, %dma_wait3A_223] : memref<2x16x2048xf32, #tpu.memory_space<vmem>> -> memref<1x16x2048xf32, #tpu.memory_space<vmem>>
      %dma_wait3A_225 = tpu.memref_squeeze %dma_wait3A_224 : memref<1x16x2048xf32, #tpu.memory_space<vmem>> -> memref<16x2048xf32, #tpu.memory_space<vmem>>
      %dma_wait3A_226 = arith.constant 0 : i32
      %dma_wait3A_227 = arith.constant 0 : i32
      %dma_wait3A_228 = tpu.memref_slice %arg4[%dma_wait3A_226, %dma_wait3A_227] : memref<16384x2048xf32, #tpu.memory_space<hbm>> -> memref<16x2048xf32, #tpu.memory_space<hbm>>
      %dma_wait3A_229 = arith.constant 0 : i32
      %dma_wait3A_230 = arith.constant 0 : i32
      %dma_wait3A_231 = tpu.memref_slice %arg4[%dma_wait3A_229, %dma_wait3A_230] : memref<16384x2048xf32, #tpu.memory_space<hbm>> -> memref<16x2048xf32, #tpu.memory_space<hbm>>
      %dma_wait3A_232 = arith.constant 0 : i32
      %dma_wait3A_233 = arith.constant 0 : i32
      %dma_wait3A_234 = tpu.memref_slice %arg6[%dma_wait3A_221, %dma_wait3A_232, %dma_wait3A_233] : memref<2x16x2048xf32, #tpu.memory_space<vmem>> -> memref<1x16x2048xf32, #tpu.memory_space<vmem>>
      %dma_wait3A_235 = tpu.memref_squeeze %dma_wait3A_234 : memref<1x16x2048xf32, #tpu.memory_space<vmem>> -> memref<16x2048xf32, #tpu.memory_space<vmem>>
      tpu.wait_dma2 semaphore(%arg10 : memref<!tpu.dma_semaphore, #tpu.memory_space<semaphore_mem>>) src(%dma_wait3A_235 : memref<16x2048xf32, #tpu.memory_space<vmem>>) dst(%dma_wait3A_231 : memref<16x2048xf32, #tpu.memory_space<hbm>>)
      %add3A_236 = arith.constant 2 : i32
      %add3A_237 = arith.addi %add3A_188, %add3A_236 : i32
      %mul3A_238 = arith.constant 16 : i32
      %mul3A_239 = arith.muli %add3A_237, %mul3A_238 : i32
      %multiple_of3A_240 = tpu.assume_multiple %mul3A_239, 8 : i32
      %dma_start3A_241 = arith.constant 1 : i32
      %dma_start3A_242 = arith.constant 0 : i32
      %dma_start3A_243 = arith.constant 0 : i32
      %dma_start3A_244 = tpu.memref_slice %arg6[%dma_start3A_241, %dma_start3A_242, %dma_start3A_243] : memref<2x16x2048xf32, #tpu.memory_space<vmem>> -> memref<1x16x2048xf32, #tpu.memory_space<vmem>>
      %dma_start3A_245 = tpu.memref_squeeze %dma_start3A_244 : memref<1x16x2048xf32, #tpu.memory_space<vmem>> -> memref<16x2048xf32, #tpu.memory_space<vmem>>
      %dma_start3A_246 = tpu.memref_slice %arg5[%multiple_of3A_240] : memref<512xi32, #tpu.memory_space<vmem>> -> memref<16xi32, #tpu.memory_space<vmem>>
      %dma_start3A_247 = arith.constant 0 : i32
      %dma_start3A_248 = arith.constant 0 : i32
      %dma_start3A_249 = tpu.memref_slice %arg3[%dma_start3A_247, %dma_start3A_248] : memref<100000x2048xf32, #tpu.memory_space<hbm>> -> memref<100000x2048xf32, #tpu.memory_space<hbm>>
      tpu.enqueue_indirect_dma source(%dma_start3A_249 : memref<100000x2048xf32, #tpu.memory_space<hbm>>) target(%dma_start3A_245 : memref<16x2048xf32, #tpu.memory_space<vmem>>) offsets(%dma_start3A_246 : memref<16xi32, #tpu.memory_space<vmem>>) semaphore(%arg8 : memref<!tpu.dma_semaphore, #tpu.memory_space<semaphore_mem>>)
    }
    %scan3A_27 = arith.constant 15 : i32
    %dma_wait3A = arith.constant 0 : i32
    %dma_wait3A_28 = arith.constant 0 : i32
    %dma_wait3A_29 = arith.constant 0 : i32
    %dma_wait3A_30 = tpu.memref_slice %arg6[%dma_wait3A, %dma_wait3A_28, %dma_wait3A_29] : memref<2x16x2048xf32, #tpu.memory_space<vmem>> -> memref<1x16x2048xf32, #tpu.memory_space<vmem>>
    %dma_wait3A_31 = tpu.memref_squeeze %dma_wait3A_30 : memref<1x16x2048xf32, #tpu.memory_space<vmem>> -> memref<16x2048xf32, #tpu.memory_space<vmem>>
    %dma_wait3A_32 = arith.constant 0 : i32
    %dma_wait3A_33 = arith.constant 0 : i32
    %dma_wait3A_34 = tpu.memref_slice %arg3[%dma_wait3A_32, %dma_wait3A_33] : memref<100000x2048xf32, #tpu.memory_space<hbm>> -> memref<16x2048xf32, #tpu.memory_space<hbm>>
    %dma_wait3A_35 = arith.constant 0 : i32
    %dma_wait3A_36 = arith.constant 0 : i32
    %dma_wait3A_37 = tpu.memref_slice %arg6[%dma_wait3A, %dma_wait3A_35, %dma_wait3A_36] : memref<2x16x2048xf32, #tpu.memory_space<vmem>> -> memref<1x16x2048xf32, #tpu.memory_space<vmem>>
    %dma_wait3A_38 = tpu.memref_squeeze %dma_wait3A_37 : memref<1x16x2048xf32, #tpu.memory_space<vmem>> -> memref<16x2048xf32, #tpu.memory_space<vmem>>
    %dma_wait3A_39 = arith.constant 0 : i32
    %dma_wait3A_40 = arith.constant 0 : i32
    %dma_wait3A_41 = tpu.memref_slice %arg3[%dma_wait3A_39, %dma_wait3A_40] : memref<100000x2048xf32, #tpu.memory_space<hbm>> -> memref<16x2048xf32, #tpu.memory_space<hbm>>
    tpu.wait_dma2 semaphore(%arg7 : memref<!tpu.dma_semaphore, #tpu.memory_space<semaphore_mem>>) src(%dma_wait3A_41 : memref<16x2048xf32, #tpu.memory_space<hbm>>) dst(%dma_wait3A_38 : memref<16x2048xf32, #tpu.memory_space<vmem>>)
    %add3A_42 = arith.constant 480 : i32
    %add3A_43 = arith.addi %mul3A_2, %add3A_42 : i32
    %multiple_of3A_44 = tpu.assume_multiple %add3A_43, 8 : i32
    %dma_start3A_45 = arith.constant 0 : i32
    %dma_start3A_46 = arith.constant 0 : i32
    %dma_start3A_47 = arith.constant 0 : i32
    %dma_start3A_48 = tpu.memref_slice %arg6[%dma_start3A_45, %dma_start3A_46, %dma_start3A_47] : memref<2x16x2048xf32, #tpu.memory_space<vmem>> -> memref<1x16x2048xf32, #tpu.memory_space<vmem>>
    %dma_start3A_49 = tpu.memref_squeeze %dma_start3A_48 : memref<1x16x2048xf32, #tpu.memory_space<vmem>> -> memref<16x2048xf32, #tpu.memory_space<vmem>>
    %dma_start3A_50 = arith.constant 0 : i32
    %dma_start3A_51 = tpu.memref_slice %arg4[%multiple_of3A_44, %dma_start3A_50] : memref<16384x2048xf32, #tpu.memory_space<hbm>> -> memref<16x2048xf32, #tpu.memory_space<hbm>>
    %dma_start3A_52 = arith.constant 0 : i32
    %dma_start3A_53 = tpu.memref_slice %arg4[%multiple_of3A_44, %dma_start3A_52] : memref<16384x2048xf32, #tpu.memory_space<hbm>> -> memref<16x2048xf32, #tpu.memory_space<hbm>>
    %dma_start3A_54 = arith.constant 0 : i32
    %dma_start3A_55 = arith.constant 0 : i32
    %dma_start3A_56 = tpu.memref_slice %arg6[%dma_start3A_45, %dma_start3A_54, %dma_start3A_55] : memref<2x16x2048xf32, #tpu.memory_space<vmem>> -> memref<1x16x2048xf32, #tpu.memory_space<vmem>>
    %dma_start3A_57 = tpu.memref_squeeze %dma_start3A_56 : memref<1x16x2048xf32, #tpu.memory_space<vmem>> -> memref<16x2048xf32, #tpu.memory_space<vmem>>
    tpu.enqueue_dma source(%dma_start3A_57 : memref<16x2048xf32, #tpu.memory_space<vmem>>) target(%dma_start3A_53 : memref<16x2048xf32, #tpu.memory_space<hbm>>) target_semaphore(%arg9 : memref<!tpu.dma_semaphore, #tpu.memory_space<semaphore_mem>>)
    %dma_wait3A_58 = arith.constant 0 : i32
    %dma_wait3A_59 = arith.constant 0 : i32
    %dma_wait3A_60 = arith.constant 0 : i32
    %dma_wait3A_61 = tpu.memref_slice %arg6[%dma_wait3A_58, %dma_wait3A_59, %dma_wait3A_60] : memref<2x16x2048xf32, #tpu.memory_space<vmem>> -> memref<1x16x2048xf32, #tpu.memory_space<vmem>>
    %dma_wait3A_62 = tpu.memref_squeeze %dma_wait3A_61 : memref<1x16x2048xf32, #tpu.memory_space<vmem>> -> memref<16x2048xf32, #tpu.memory_space<vmem>>
    %dma_wait3A_63 = arith.constant 0 : i32
    %dma_wait3A_64 = arith.constant 0 : i32
    %dma_wait3A_65 = tpu.memref_slice %arg4[%dma_wait3A_63, %dma_wait3A_64] : memref<16384x2048xf32, #tpu.memory_space<hbm>> -> memref<16x2048xf32, #tpu.memory_space<hbm>>
    %dma_wait3A_66 = arith.constant 0 : i32
    %dma_wait3A_67 = arith.constant 0 : i32
    %dma_wait3A_68 = tpu.memref_slice %arg4[%dma_wait3A_66, %dma_wait3A_67] : memref<16384x2048xf32, #tpu.memory_space<hbm>> -> memref<16x2048xf32, #tpu.memory_space<hbm>>
    %dma_wait3A_69 = arith.constant 0 : i32
    %dma_wait3A_70 = arith.constant 0 : i32
    %dma_wait3A_71 = tpu.memref_slice %arg6[%dma_wait3A_58, %dma_wait3A_69, %dma_wait3A_70] : memref<2x16x2048xf32, #tpu.memory_space<vmem>> -> memref<1x16x2048xf32, #tpu.memory_space<vmem>>
    %dma_wait3A_72 = tpu.memref_squeeze %dma_wait3A_71 : memref<1x16x2048xf32, #tpu.memory_space<vmem>> -> memref<16x2048xf32, #tpu.memory_space<vmem>>
    tpu.wait_dma2 semaphore(%arg9 : memref<!tpu.dma_semaphore, #tpu.memory_space<semaphore_mem>>) src(%dma_wait3A_72 : memref<16x2048xf32, #tpu.memory_space<vmem>>) dst(%dma_wait3A_68 : memref<16x2048xf32, #tpu.memory_space<hbm>>)
    %dma_wait3A_73 = arith.constant 1 : i32
    %dma_wait3A_74 = arith.constant 0 : i32
    %dma_wait3A_75 = arith.constant 0 : i32
    %dma_wait3A_76 = tpu.memref_slice %arg6[%dma_wait3A_73, %dma_wait3A_74, %dma_wait3A_75] : memref<2x16x2048xf32, #tpu.memory_space<vmem>> -> memref<1x16x2048xf32, #tpu.memory_space<vmem>>
    %dma_wait3A_77 = tpu.memref_squeeze %dma_wait3A_76 : memref<1x16x2048xf32, #tpu.memory_space<vmem>> -> memref<16x2048xf32, #tpu.memory_space<vmem>>
    %dma_wait3A_78 = arith.constant 0 : i32
    %dma_wait3A_79 = arith.constant 0 : i32
    %dma_wait3A_80 = tpu.memref_slice %arg3[%dma_wait3A_78, %dma_wait3A_79] : memref<100000x2048xf32, #tpu.memory_space<hbm>> -> memref<16x2048xf32, #tpu.memory_space<hbm>>
    %dma_wait3A_81 = arith.constant 0 : i32
    %dma_wait3A_82 = arith.constant 0 : i32
    %dma_wait3A_83 = tpu.memref_slice %arg6[%dma_wait3A_73, %dma_wait3A_81, %dma_wait3A_82] : memref<2x16x2048xf32, #tpu.memory_space<vmem>> -> memref<1x16x2048xf32, #tpu.memory_space<vmem>>
    %dma_wait3A_84 = tpu.memref_squeeze %dma_wait3A_83 : memref<1x16x2048xf32, #tpu.memory_space<vmem>> -> memref<16x2048xf32, #tpu.memory_space<vmem>>
    %dma_wait3A_85 = arith.constant 0 : i32
    %dma_wait3A_86 = arith.constant 0 : i32
    %dma_wait3A_87 = tpu.memref_slice %arg3[%dma_wait3A_85, %dma_wait3A_86] : memref<100000x2048xf32, #tpu.memory_space<hbm>> -> memref<16x2048xf32, #tpu.memory_space<hbm>>
    tpu.wait_dma2 semaphore(%arg8 : memref<!tpu.dma_semaphore, #tpu.memory_space<semaphore_mem>>) src(%dma_wait3A_87 : memref<16x2048xf32, #tpu.memory_space<hbm>>) dst(%dma_wait3A_84 : memref<16x2048xf32, #tpu.memory_space<vmem>>)
    %add3A_88 = arith.constant 496 : i32
    %add3A_89 = arith.addi %mul3A_2, %add3A_88 : i32
    %multiple_of3A_90 = tpu.assume_multiple %add3A_89, 8 : i32
    %dma_start3A_91 = arith.constant 1 : i32
    %dma_start3A_92 = arith.constant 0 : i32
    %dma_start3A_93 = arith.constant 0 : i32
    %dma_start3A_94 = tpu.memref_slice %arg6[%dma_start3A_91, %dma_start3A_92, %dma_start3A_93] : memref<2x16x2048xf32, #tpu.memory_space<vmem>> -> memref<1x16x2048xf32, #tpu.memory_space<vmem>>
    %dma_start3A_95 = tpu.memref_squeeze %dma_start3A_94 : memref<1x16x2048xf32, #tpu.memory_space<vmem>> -> memref<16x2048xf32, #tpu.memory_space<vmem>>
    %dma_start3A_96 = arith.constant 0 : i32
    %dma_start3A_97 = tpu.memref_slice %arg4[%multiple_of3A_90, %dma_start3A_96] : memref<16384x2048xf32, #tpu.memory_space<hbm>> -> memref<16x2048xf32, #tpu.memory_space<hbm>>
    %dma_start3A_98 = arith.constant 0 : i32
    %dma_start3A_99 = tpu.memref_slice %arg4[%multiple_of3A_90, %dma_start3A_98] : memref<16384x2048xf32, #tpu.memory_space<hbm>> -> memref<16x2048xf32, #tpu.memory_space<hbm>>
    %dma_start3A_100 = arith.constant 0 : i32
    %dma_start3A_101 = arith.constant 0 : i32
    %dma_start3A_102 = tpu.memref_slice %arg6[%dma_start3A_91, %dma_start3A_100, %dma_start3A_101] : memref<2x16x2048xf32, #tpu.memory_space<vmem>> -> memref<1x16x2048xf32, #tpu.memory_space<vmem>>
    %dma_start3A_103 = tpu.memref_squeeze %dma_start3A_102 : memref<1x16x2048xf32, #tpu.memory_space<vmem>> -> memref<16x2048xf32, #tpu.memory_space<vmem>>
    tpu.enqueue_dma source(%dma_start3A_103 : memref<16x2048xf32, #tpu.memory_space<vmem>>) target(%dma_start3A_99 : memref<16x2048xf32, #tpu.memory_space<hbm>>) target_semaphore(%arg10 : memref<!tpu.dma_semaphore, #tpu.memory_space<semaphore_mem>>)
    %dma_wait3A_104 = arith.constant 1 : i32
    %dma_wait3A_105 = arith.constant 0 : i32
    %dma_wait3A_106 = arith.constant 0 : i32
    %dma_wait3A_107 = tpu.memref_slice %arg6[%dma_wait3A_104, %dma_wait3A_105, %dma_wait3A_106] : memref<2x16x2048xf32, #tpu.memory_space<vmem>> -> memref<1x16x2048xf32, #tpu.memory_space<vmem>>
    %dma_wait3A_108 = tpu.memref_squeeze %dma_wait3A_107 : memref<1x16x2048xf32, #tpu.memory_space<vmem>> -> memref<16x2048xf32, #tpu.memory_space<vmem>>
    %dma_wait3A_109 = arith.constant 0 : i32
    %dma_wait3A_110 = arith.constant 0 : i32
    %dma_wait3A_111 = tpu.memref_slice %arg4[%dma_wait3A_109, %dma_wait3A_110] : memref<16384x2048xf32, #tpu.memory_space<hbm>> -> memref<16x2048xf32, #tpu.memory_space<hbm>>
    %dma_wait3A_112 = arith.constant 0 : i32
    %dma_wait3A_113 = arith.constant 0 : i32
    %dma_wait3A_114 = tpu.memref_slice %arg4[%dma_wait3A_112, %dma_wait3A_113] : memref<16384x2048xf32, #tpu.memory_space<hbm>> -> memref<16x2048xf32, #tpu.memory_space<hbm>>
    %dma_wait3A_115 = arith.constant 0 : i32
    %dma_wait3A_116 = arith.constant 0 : i32
    %dma_wait3A_117 = tpu.memref_slice %arg6[%dma_wait3A_104, %dma_wait3A_115, %dma_wait3A_116] : memref<2x16x2048xf32, #tpu.memory_space<vmem>> -> memref<1x16x2048xf32, #tpu.memory_space<vmem>>
    %dma_wait3A_118 = tpu.memref_squeeze %dma_wait3A_117 : memref<1x16x2048xf32, #tpu.memory_space<vmem>> -> memref<16x2048xf32, #tpu.memory_space<vmem>>
    tpu.wait_dma2 semaphore(%arg10 : memref<!tpu.dma_semaphore, #tpu.memory_space<semaphore_mem>>) src(%dma_wait3A_118 : memref<16x2048xf32, #tpu.memory_space<vmem>>) dst(%dma_wait3A_114 : memref<16x2048xf32, #tpu.memory_space<hbm>>)
    return
  }
}

</mosaic_0001>

<sc_bundles>
// kernel: _lookup.3.cloned.1.call-start
scs
__scs_entry_jumppad:
0x0: {  	(pc) =	sbr.rel $0x88, $3  }
0x1: {  	(tag) =	ssettag $0x0;
	lr =	simm.s32 $0x1  }
0x2: {  	[smem:$0x3F9F] =	sst lr;
	_ =	strace $0xD0000000  }
0x3: {  	_ = 	snop  }
0x4: {  	_ = 	snop  }
0x5: {  	_ = 	snop  }
0x6: {  	_ = 	snop  }
0x7: {  	_ = 	snop  }
__scs_overlays_trampoline_lowered:
0x8: {  	[smem:$0x3FAE] =	sst s0  }
0x9: {  	[smem:$0x3FAF] =	sst s1  }
0xa: {  	[smem:$0x3FB0] =	sst s2  }
0xb: {  	[smem:$0x3FB1] =	sst s3  }
0xc: {  	[smem:$0x3FB2] =	sst s4  }
0xd: {  	[smem:$0x3FB3] =	sst s5  }
0xe: {  	[smem:$0x3FB4] =	sst s6  }
0xf: {  	[smem:$0x3FB5] =	sst s7  }
0x10: {  	[smem:$0x3FB6] =	sst s8  }
0x11: {  	[smem:$0x3FB7] =	sst s9;
	s0 =	simm.s32 @!p0 $0x0  }
0x12: {  	s1 =	sld [smem:$0x3F9D];
	s0 =	simm.s32 @p0 $0x1  }
0x13: {  	[smem:$0x3FB8] =	sst s0;
	s0 =	simm.s32 @!p1 $0x0  }
0x14: {  	s2 =	sld [smem:$0x3F9C];
	s0 =	simm.s32 @p1 $0x1  }
0x15: {  	[smem:$0x3FB9] =	sst s0;
	s0 =	simm.s32 @!p2 $0x0  }
0x16: {  	s3 =	sld [smem:$0x3FDB];
	s0 =	simm.s32 @p2 $0x1  }
0x17: {  	s4 =	simm.s32 $0x1BF5;
	[smem:$0x3FBB] =	sst s0  }
0x18: {  	s0 =	sld [smem:$0x3F9E];
	_ =	swait.ge [sflag:s4], $0x0  }
0x19: {  	s7 =	sld [smem:$0x3F9F]  }
0x1a: {  	s8 =	sadd.s32 $0xFFFFE003, lr  }
0x1b: {  	s9 =	sadd.s32 $0xFFFFFEF7, lr;
	s5 =	simm.s32 $0xFFFFFFFF;
	p2 =	slt.u32 s8, $0xFFFFF086  }
0x1c: {  	p1 =	slt.u32 s9, $0xF7A;
	s5 =	simm.s32 @!p2 $0x0  }
0x1d: {  	s5 =	simm.s32 @p1 $0x1;
	p0 =	seq.s32 s7, s2  }
0x1e: {  	s7 =	smul.u32 @!p0 $0xF7A, s2;
	p2 =	seq.s32 @!p0 s5, $0x0  }
0x1f: {  	s9 =	smul.u32 $0xF7A, s1;
	s8 =	simm.s32 @!p0 $0x1BF5;
	p2 =	por !p2, p0  }
0x20: {  	[sflag:s8] =	ssyncset.s32 @!p0 $0xFFFFF086;
	s6 =	sadd.s32 @!p0 s3, s7;
	s7 =	simm.s32 @!p0 $0x108  }
0x21: {  	s3 =	sadd.s32 s3, s9;
	s6 =	sadd.s32 @!p0 $0x88, s6;
	s7 =	simm.s32 @p2 $0x1082  }
0x22: {  	[simem:s7], [sflag:s8] =	dma.local @!p0 [hbm:s6], $0xF7A  }
0x23: {  	s9 =	sor.u32 $0xD0000000, s2;
	s6 =	simm.s32 $0x108;
	_ =	swait.ge @!p0 [sflag:s8], $0x0  }
0x24: {  	s3 =	sadd.s32 $0x88, s3;
	s6 =	simm.s32 @!p1 $0x1082;
	[sflag:s4] =	ssyncset.s32 $0xFFFFF086  }
0x25: {  	[simem:s6], [sflag:s4] =	dma.local [hbm:s3], $0xF7A  }
0x26: {  	[smem:$0x3F9F] =	sst s1;
	(tag) =	ssettag s2;
	_ =	strace s9  }
0x27: {  	s1 =	sld [smem:$0x3FAF]  }
0x28: {  	s2 =	sld [smem:$0x3FB0]  }
0x29: {  	s4 =	sld [smem:$0x3FB2]  }
0x2a: {  	p0 =	seq.s32 s5, $0x0;
	s5 =	sld [smem:$0x3FB3]  }
0x2b: {  	s6 =	sld [smem:$0x3FB4]  }
0x2c: {  	s7 =	sld [smem:$0x3FB5]  }
0x2d: {  	s3 =	simm.s32 $0x108;
	s8 =	sld [smem:$0x3FB6]  }
0x2e: {  	s3 =	simm.s32 @!p0 $0x1082;
	s9 =	sld [smem:$0x3FB7]  }
0x2f: {  	lr =	sadd.s32 s0, s3;
	s0 =	sld [smem:$0x3FAE]  }
0x30: {  	s3 =	sld [smem:$0x3FB1]  }
0x31: {  	[smem:$0x3FBA] =	sst s10  }
0x32: {  	s10 =	sld [smem:$0x3FB8];
	_ =	sdelay $0x3  }
0x33: {  	p0 =	seq.s32 s10, $0x1;
	s10 =	sld [smem:$0x3FBA];
	_ =	sdelay $0x3  }
0x34: {  	[smem:$0x3FBA] =	sst s10  }
0x35: {  	s10 =	sld [smem:$0x3FB9];
	_ =	sdelay $0x3  }
0x36: {  	p1 =	seq.s32 s10, $0x1;
	s10 =	sld [smem:$0x3FBA];
	_ =	sdelay $0x3  }
0x37: {  	[smem:$0x3FBA] =	sst s10  }
0x38: {  	s10 =	sld [smem:$0x3FBB]  }
0x39: {  	_ = 	snop;
	(pc) =	sbr.ind lr, $3  }
0x3a: {  	_ = 	snop  }
0x3b: {  	_ = 	snop  }
0x3c: {  	p2 =	seq.s32 s10, $0x1;
	s10 =	sld [smem:$0x3FBA]  }
0x3d: {  	_ =	shalt  }
0x3e: {  	_ =	shalt  }
0x3f: {  	_ =	shalt  }
0x40: {  	_ =	shalt  }
0x41: {  	_ =	shalt  }
0x42: {  	_ =	shalt  }
0x43: {  	_ =	shalt  }
0x44: {  	_ =	shalt  }
0x45: {  	_ =	shalt  }
0x46: {  	_ =	shalt  }
0x47: {  	_ =	shalt  }
0x48: {  	_ =	shalt  }
0x49: {  	_ =	shalt  }
0x4a: {  	_ =	shalt  }
0x4b: {  	_ =	shalt  }
0x4c: {  	_ =	shalt  }
0x4d: {  	_ =	shalt  }
0x4e: {  	_ =	shalt  }
0x4f: {  	_ =	shalt  }
0x50: {  	_ =	shalt  }
0x51: {  	_ =	shalt  }
0x52: {  	_ =	shalt  }
0x53: {  	_ =	shalt  }
0x54: {  	_ =	shalt  }
0x55: {  	_ =	shalt  }
0x56: {  	_ =	shalt  }
0x57: {  	_ =	shalt  }
0x58: {  	_ =	shalt  }
0x59: {  	_ =	shalt  }
0x5a: {  	_ =	shalt  }
0x5b: {  	_ =	shalt  }
0x5c: {  	_ =	shalt  }
0x5d: {  	_ =	shalt  }
0x5e: {  	_ =	shalt  }
0x5f: {  	_ =	shalt  }
0x60: {  	_ =	shalt  }
0x61: {  	_ =	shalt  }
0x62: {  	_ =	shalt  }
0x63: {  	_ =	shalt  }
0x64: {  	_ =	shalt  }
0x65: {  	_ =	shalt  }
0x66: {  	_ =	shalt  }
0x67: {  	_ =	shalt  }
0x68: {  	_ =	shalt  }
0x69: {  	_ =	shalt  }
0x6a: {  	_ =	shalt  }
0x6b: {  	_ =	shalt  }
0x6c: {  	_ =	shalt  }
0x6d: {  	_ =	shalt  }
0x6e: {  	_ =	shalt  }
0x6f: {  	_ =	shalt  }
0x70: {  	_ =	shalt  }
0x71: {  	_ =	shalt  }
0x72: {  	_ =	shalt  }
0x73: {  	_ =	shalt  }
0x74: {  	_ =	shalt  }
0x75: {  	_ =	shalt  }
0x76: {  	_ =	shalt  }
0x77: {  	_ =	shalt  }
0x78: {  	_ =	shalt  }
0x79: {  	_ =	shalt  }
0x7a: {  	_ =	shalt  }
0x7b: {  	_ =	shalt  }
0x7c: {  	_ =	shalt  }
0x7d: {  	_ =	shalt  }
0x7e: {  	_ =	shalt  }
0x7f: {  	_ =	shalt  }
0x80: {  	_ =	shalt  }
0x81: {  	_ =	shalt  }
0x82: {  	_ =	shalt  }
0x83: {  	_ =	shalt  }
0x84: {  	_ =	shalt  }
0x85: {  	_ =	shalt  }
0x86: {  	_ =	shalt  }
0x87: {  	_ =	shalt  }
.Lfunc_end0:
.L_simem_size_0:
called_computation_lowered:
.L_overlay_start_0:
0x88: {  	s2 =	sld [smem:$0x3FD9]  }
0x89: {  	s3 =	sld [smem:$0x3FFE];
	_ =	sdelay $0x1  }
0x8a: {  	s1 =	srdreg.scid  }
0x8b: {  	s0 =	sand.u32 $0x1, s1  }
0x8c: {  	s18 =	sshll.u32 s0, $0xA;
	s2 =	sadd.s32 s3, s2  }
0x8d: {  	s2 =	sadd.s32 s2, s18  }
0x8e: {  	[smem:$0x3FC6] =	sst s2  }
0x8f: {  	_ = 	snop  }
0x90: {  	s2 =	sld [smem:$0x3FC9]  }
0x91: {  	s19 =	sld [smem:$0x3FC8]  }
0x92: {  	s4 =	sld [smem:$0x3FD0];
	(tm) =	ssettm $0x1  }
0x93: {  	s5 =	sld [smem:$0x3FFB];
	_ =	sdelay $0x3  }
0x94: {  	_ =	strace s5  }
0x95: {  	s5 =	sld [smem:$0x3FFC];
	_ =	sdelay $0x3  }
0x96: {  	_ =	strace s5  }
0x97: {  	s5 =	sld [smem:$0x3FFD];
	_ =	sdelay $0x3  }
0x98: {  	_ =	strace s5  }
0x99: {  	_ =	strace $0x8FFFFFFF  }
0x9a: {  	s20 =	sld [smem:$0x3FDB];
	_ =	sdelay $0x1  }
0x9b: {  	s6 =	simm.s32 $_scs_section_size  }
0x9c: {  	s7 =	simm.s32 $_size__tile_overlayer_lowered;
	s8 =	simm.s32 $_tile_overlayer_lowered  }
0x9d: {  	s23 =	simm.s32 $0x1BFF;
	s22 =	sshll.u32 s8, $0x1;
	s5 =	sadd.s32 s6, s20  }
0x9e: {  	s9 =	simm.s32 $0x0;
	s21 =	sshll.u32 s7, $0x1;
	s7 =	sadd.s32 s22, s5  }
0x9f: {  	[timem:s9], [sflag:s23] =	dma.local [hbm:s7], s21  }
0xa0: {  	_ =	swait.ge [sflag:s23], s21  }
0xa1: {  	s6 =	ssub.s32 $0x0, s21;
	[sflag:s23] =	ssyncset.done $0x0  }
0xa2: {  	[sflag:s23] =	ssyncadd.s32 s6;
	_ =	sdelay $0x1  }
0xa3: {  	s24 =	simm.s32 $0x1B8B  }
0xa4: {  	_ =	swait.ge [sflag:s24], $0x1  }
0xa5: {  	[sflag:s24] =	ssyncset.done $0x0  }
0xa6: {  	s25 =	simm.s32 $0x1B8E;
	[sflag:s24] =	ssyncadd.s32 $0xFFFFFFFF  }
0xa7: {  	s26 =	simm.s32 $execute0_lowered;
	[smem:$0x3FD2] =	sst s25  }
0xa8: {  	s6 =	sshll.u32 s26, $0x1;
	_ =	strace $0x80000046;
	[dreg:$0x1] =	wrdreg $0xFFFFFFFF  }
0xa9: {  	s28 =	simm.s32 $_size_execute0_lowered;
	s5 =	sadd.s32 s5, s6;
	[dreg:$0x0] =	wrdreg $0x0  }
0xaa: {  	s6 =	sshll.u32 s28, $0x1;
	[dreg:$0x2] =	wrdreg s5  }
0xab: {  	[dreg:$0x3] =	wrdreg s6  }
0xac: {  	[dreg:$0x4] =	wrdreg $0xC0  }
0xad: {  	_ =	task [dreg:s9], $0x5FFFF  }
0xae: {  	[dreg:$0x1] =	wrdreg $0xFFFFFFFF  }
0xaf: {  	[dreg:$0x0] =	wrdreg $0x60  }
0xb0: {  	[dreg:$0x2] =	wrdreg s2  }
0xb1: {  	[dreg:$0x3] =	wrdreg s19  }
0xb2: {  	[dreg:$0x4] =	wrdreg s4  }
0xb3: {  	[dreg:$0x5] =	wrdreg $0x9  }
0xb4: {  	_ =	task.clear_ibuf [dreg:s9], $0x6FFFF;
	_ =	strace $0x90000046  }
0xb5: {  	s29 =	simm.s32 $0x9;
	_ =	strace $0x80000048  }
0xb6: {  	_ =	swait.ge [sflag:s29], $0x1  }
0xb7: {  	[sflag:s29] =	ssyncadd.s32 $0xFFFFFFFF  }
0xb8: {  	_ =	strace $0x90000048  }
0xb9: {  	_ =	sfence  }
0xba: {  	s30 =	sld [smem:$0x0];
	_ =	sdelay $0x2  }
0xbb: {  	s31 =	sshll.u32 s1, $0xD;
	s1 =	sshrl.u32 s1, $0x2  }
0xbc: {  	s3 =	sand.u32 $0x4000, s31;
	s1 =	sadd.s32 s1, s30  }
0xbd: {  	s0 =	sor.u32 s3, s0;
	s1 =	sshll.u32 s1, $0x11  }
0xbe: {  	s0 =	sor.u32 s1, s0  }
0xbf: {  	s0 =	sadd.s32 $0x8F2B, s0  }
0xc0: {  	[sflag:s0] =	ssyncadd.remote.s32 $0x1  }
0xc1: {  	_ =	sfence.sel $0xFFFF  }
0xc2: {  	[dreg:$0x0] =	wrdreg $0xFFFFFFFF;
	(pc) =	sbr.abs _section_cstart, $3  }
0xc3: {  	[dreg:$0x1] =	wrdreg $0xFFFFFFFF  }
0xc4: {  	_ =	task.clear_ibuf [dreg:s9], $0x2FFFF;
	_ =	strace $0x9FFFFFFF  }
0xc5: {  	(tm) =	ssettm $0x7FFFFFFF  }
tec
execute0_lowered:
.L_overlay_start_1:
0x0: {  	(tag) =	ssettag $0x1  }
0x1: {  	s0 =	rddreg [dreg:$0x0]  }
0x2: {  	s2 =	rddreg [dreg:$0x1]  }
0x3: {  	s1 =	srdreg.scid;
	s4 =	rddreg [dreg:$0x2]  }
0x4: {  	s13 =	stileid.u32;
	s3 =	simm.s32 $0x0;
	s15 =	simm.s32 $0x2200  }
0x5: {  	s16 =	simm.s32 $0x2A00;
	s19 =	simm.s32 $0x3A00;
	s20 =	simm.s32 $0x4200  }
0x6: {  	s21 =	simm.s32 $0x4A00;
	s22 =	simm.s32 $0x5200;
	s23 =	simm.s32 $0x5A00  }
0x7: {  	s17 =	simm.s32 $0x7200;
	s28 =	simm.s32 $0x7A00;
	s18 =	simm.s32 $0x8200  }
0x8: {  	s29 =	simm.s32 $0x1;
	s30 =	simm.s32 $0x3;
	s31 =	simm.s32 $0x2  }
0x9: {  	s1 =	sand.u32 $0x1, s1;
	s5 =	sshll.u32 s13, $0xA;
	[smem:$0x7FF] =	sst s3  }
0xa: {  	s8 =	sadd.s32 $0x400, s2;
	s9 =	sadd.s32 $0x500, s2;
	s11 =	sadd.s32 $0x700, s2  }
0xb: {  	s26 =	sshll.u32 s13, $0x12;
	s13 =	simm.s32 $0x1A00;
	s6 =	sshll.u32 s1, $0x9  }
0xc: {  	s7 =	ssub.s32 $0x2, s1;
	_ =	strace $0x80000047;
	s1 =	sshll.u32 s1, $0x11  }
0xd: {  	s10 =	sor.u32 s6, s5;
	s24 =	sshrl.u32 s7, $0x1;
	s5 =	sadd.s32 $0x100, s2  }
0xe: {  	s6 =	sshrl.u32 s10, $0x3;
	s12 =	ssub.s32 s7, s24;
	s7 =	sadd.s32 $0x300, s2  }
0xf: {  	s25 =	sshll.u32 s10, $0x8;
	s10 =	sadd.s32 $0x600, s2;
	s0 =	sadd.s32 s0, s6  }
0x10: {  	s24 =	simm.s32 $0x6200;
	s12 =	smax.u32 s12, $0x1;
	[dreg:$0x4] =	wrdreg s0  }
0x11: {  	s6 =	sadd.s32 $0x200, s2;
	s0 =	sadd.s32 s25, s4;
	[dreg:$0x7] =	wrdreg s12  }
0x12: {  	s12 =	simm.s32 $0x1200;
	s14 =	sadd.s32 $0x1E000, s0;
	s0 =	sadd.s32 $0x1F000, s0  }
0x13: {  	s25 =	simm.s32 $0x6A00;
	[dreg:$0x6] =	wrdreg s0;
	s0 =	sadd.s32 s26, s4  }
0x14: {  	v2 =	vlaneseq.u32;
	[dreg:$0x5] =	wrdreg s14;
	s4 =	simm.s32 $0x200;
	s0 =	sadd.s32 s1, s0  }
0x15: {  	vm0 =	vmmov $0xffff;
	v1 =	vshrl.u32 v2, $0x3;
	s14 =	simm.s32 $0xA00;
	s1 =	simm.s32 $0x0;
	[dreg:$0x8] =	wrdreg s0  }
0x16: {  	v0 =	vand.u32 $0x7, v2;
	v2 =	vor.u32 $0x8, v2;
	v1 =	vmul.u32 $0x8, v1;
	s26 =	simm.s32 $0x3200;
	s0 =	simm.s32 $0x4;
	[dreg:$0x9] =	wrdreg s1  }
.LBB2_1:
0x17: {  	s1 =	rddreg [dreg:$0x4]  }
0x18: {  	[tilespmem:s3], [sflag:$0x5] =	stream.linear.gather [hbm4b:s1+s3], $0x200, $0x38;
	[tilespmem:$0x10200] =	vst v63  }
0x19: {  	s1 =	simm.s32 $0x5  }
0x1a: {  	_ =	swait.ge [sflag:s1], $0x200  }
0x1b: {  	[sflag:s1] =	ssyncset.done $0x0  }
0x1c: {  	[sflag:s1] =	ssyncadd.s32 $0xFFFFFE00  }
0x1d: {  	v3 =	vld [tilespmem:$0x0];
	_ =	sdelay $0x4  }
0x1e: {  	v4 =	vshll.u32 v3, $0x4  }
0x1f: {  	v3 =	vand.u32 $0x7, v3;
	v4 =	vand.u32 $0xFFFFFF80, v4  }
0x20: {  	v3 =	vor.u32 v3, v4  }
0x21: {  	v4 =	vperm.xlane v3, v0;
	_ =	sdelay $0x1  }
0x22: {  	v4 =	vadd.s32 v1, v4;
	_ =	sdelay $0x4  }
0x23: {  	[tilespmem:s4], [sflag:$0x1] =	stream.indirect_vreg.gather [hbm4b:s2+s3], $0x80, v4, vm0, $0xb8;
	[tilespmem:$0x10200] =	vst v63  }
0x24: {  	_ = 	snop  }
0x25: {  	[tilespmem:s14], [sflag:$0x1] =	stream.indirect_vreg.gather [hbm4b:s5+s3], $0x80, v4, vm0, $0xb8;
	[tilespmem:$0x10200] =	vst v63  }
0x26: {  	_ = 	snop  }
0x27: {  	[tilespmem:s12], [sflag:$0x1] =	stream.indirect_vreg.gather [hbm4b:s6+s3], $0x80, v4, vm0, $0xb8;
	[tilespmem:$0x10200] =	vst v63  }
0x28: {  	_ = 	snop  }
0x29: {  	[tilespmem:s13], [sflag:$0x1] =	stream.indirect_vreg.gather [hbm4b:s7+s3], $0x80, v4, vm0, $0xb8;
	[tilespmem:$0x10200] =	vst v63  }
0x2a: {  	_ = 	snop  }
0x2b: {  	[tilespmem:s15], [sflag:$0x1] =	stream.indirect_vreg.gather [hbm4b:s8+s3], $0x80, v4, vm0, $0xb8;
	[tilespmem:$0x10200] =	vst v63  }
0x2c: {  	v3 =	vperm.xlane v3, v2  }
0x2d: {  	[tilespmem:s16], [sflag:$0x1] =	stream.indirect_vreg.gather [hbm4b:s9+s3], $0x80, v4, vm0, $0xb8;
	[tilespmem:$0x10200] =	vst v63  }
0x2e: {  	v3 =	vadd.s32 v1, v3  }
0x2f: {  	[tilespmem:s26], [sflag:$0x1] =	stream.indirect_vreg.gather [hbm4b:s10+s3], $0x80, v4, vm0, $0xb8;
	[tilespmem:$0x10200] =	vst v63  }
0x30: {  	_ = 	snop  }
0x31: {  	[tilespmem:s19], [sflag:$0x1] =	stream.indirect_vreg.gather [hbm4b:s11+s3], $0x80, v4, vm0, $0xb8;
	[tilespmem:$0x10200] =	vst v63  }
0x32: {  	_ = 	snop  }
0x33: {  	[tilespmem:s20], [sflag:$0x1] =	stream.indirect_vreg.gather [hbm4b:s2+s3], $0x80, v3, vm0, $0xb8;
	[tilespmem:$0x10200] =	vst v63  }
0x34: {  	_ = 	snop  }
0x35: {  	[tilespmem:s21], [sflag:$0x1] =	stream.indirect_vreg.gather [hbm4b:s5+s3], $0x80, v3, vm0, $0xb8;
	[tilespmem:$0x10200] =	vst v63  }
0x36: {  	_ = 	snop  }
0x37: {  	[tilespmem:s22], [sflag:$0x1] =	stream.indirect_vreg.gather [hbm4b:s6+s3], $0x80, v3, vm0, $0xb8;
	[tilespmem:$0x10200] =	vst v63  }
0x38: {  	_ = 	snop  }
0x39: {  	[tilespmem:s23], [sflag:$0x1] =	stream.indirect_vreg.gather [hbm4b:s7+s3], $0x80, v3, vm0, $0xb8;
	[tilespmem:$0x10200] =	vst v63  }
0x3a: {  	_ = 	snop  }
0x3b: {  	[tilespmem:s24], [sflag:$0x1] =	stream.indirect_vreg.gather [hbm4b:s8+s3], $0x80, v3, vm0, $0xb8;
	[tilespmem:$0x10200] =	vst v63  }
0x3c: {  	_ = 	snop  }
0x3d: {  	[tilespmem:s25], [sflag:$0x1] =	stream.indirect_vreg.gather [hbm4b:s9+s3], $0x80, v3, vm0, $0xb8;
	[tilespmem:$0x10200] =	vst v63  }
0x3e: {  	_ = 	snop  }
0x3f: {  	[tilespmem:s17], [sflag:$0x1] =	stream.indirect_vreg.gather [hbm4b:s10+s3], $0x80, v3, vm0, $0xb8;
	[tilespmem:$0x10200] =	vst v63  }
0x40: {  	_ = 	snop  }
0x41: {  	[tilespmem:s28], [sflag:$0x1] =	stream.indirect_vreg.gather [hbm4b:s11+s3], $0x80, v3, vm0, $0xb8;
	[tilespmem:$0x10200] =	vst v63  }
0x42: {  	v3 =	vld [tilespmem:$0x10];
	_ =	sdelay $0x4  }
0x43: {  	v63 =	vshll.u32 v3, $0x4  }
0x44: {  	v3 =	vand.u32 $0x7, v3;
	v4 =	vand.u32 $0xFFFFFF80, v63  }
0x45: {  	v3 =	vor.u32 v3, v4  }
0x46: {  	v4 =	vperm.xlane v3, v0;
	_ =	sdelay $0x1  }
0x47: {  	v4 =	vadd.s32 v1, v4;
	_ =	sdelay $0x4  }
0x48: {  	[tilespmem:s18], [sflag:$0x2] =	stream.indirect_vreg.gather [hbm4b:s2+s3], $0x80, v4, vm0, $0xb8;
	[tilespmem:$0x10200] =	vst v63  }
0x49: {  	s12 =	simm.s32 $0x8A00  }
0x4a: {  	[tilespmem:s12], [sflag:$0x2] =	stream.indirect_vreg.gather [hbm4b:s5+s3], $0x80, v4, vm0, $0xb8;
	[tilespmem:$0x10200] =	vst v63  }
0x4b: {  	s13 =	simm.s32 $0x9200  }
0x4c: {  	[tilespmem:s13], [sflag:$0x2] =	stream.indirect_vreg.gather [hbm4b:s6+s3], $0x80, v4, vm0, $0xb8;
	[tilespmem:$0x10200] =	vst v63  }
0x4d: {  	s15 =	simm.s32 $0x9A00  }
0x4e: {  	[tilespmem:s15], [sflag:$0x2] =	stream.indirect_vreg.gather [hbm4b:s7+s3], $0x80, v4, vm0, $0xb8;
	[tilespmem:$0x10200] =	vst v63  }
0x4f: {  	s16 =	simm.s32 $0xA200  }
0x50: {  	[tilespmem:s16], [sflag:$0x2] =	stream.indirect_vreg.gather [hbm4b:s8+s3], $0x80, v4, vm0, $0xb8;
	[tilespmem:$0x10200] =	vst v63  }
0x51: {  	s17 =	simm.s32 $0xAA00;
	v3 =	vperm.xlane v3, v2  }
0x52: {  	[tilespmem:s17], [sflag:$0x2] =	stream.indirect_vreg.gather [hbm4b:s9+s3], $0x80, v4, vm0, $0xb8;
	[tilespmem:$0x10200] =	vst v63  }
0x53: {  	v3 =	vadd.s32 v1, v3;
	s18 =	simm.s32 $0xB200  }
0x54: {  	[tilespmem:s18], [sflag:$0x2] =	stream.indirect_vreg.gather [hbm4b:s10+s3], $0x80, v4, vm0, $0xb8;
	[tilespmem:$0x10200] =	vst v63  }
0x55: {  	s19 =	simm.s32 $0xBA00  }
0x56: {  	[tilespmem:s19], [sflag:$0x2] =	stream.indirect_vreg.gather [hbm4b:s11+s3], $0x80, v4, vm0, $0xb8;
	[tilespmem:$0x10200] =	vst v63  }
0x57: {  	s20 =	simm.s32 $0xC200  }
0x58: {  	[tilespmem:s20], [sflag:$0x2] =	stream.indirect_vreg.gather [hbm4b:s2+s3], $0x80, v3, vm0, $0xb8;
	[tilespmem:$0x10200] =	vst v63  }
0x59: {  	s21 =	simm.s32 $0xCA00  }
0x5a: {  	[tilespmem:s21], [sflag:$0x2] =	stream.indirect_vreg.gather [hbm4b:s5+s3], $0x80, v3, vm0, $0xb8;
	[tilespmem:$0x10200] =	vst v63  }
0x5b: {  	s1 =	rddreg [dreg:$0x8];
	s26 =	simm.s32 $0xF200;
	s22 =	simm.s32 $0xD200  }
0x5c: {  	[tilespmem:s22], [sflag:$0x2] =	stream.indirect_vreg.gather [hbm4b:s6+s3], $0x80, v3, vm0, $0xb8;
	[tilespmem:$0x10200] =	vst v63  }
0x5d: {  	s23 =	simm.s32 $0xDA00;
	s24 =	simm.s32 $0xE200;
	s25 =	simm.s32 $0xEA00  }
0x5e: {  	[tilespmem:s23], [sflag:$0x2] =	stream.indirect_vreg.gather [hbm4b:s7+s3], $0x80, v3, vm0, $0xb8;
	[tilespmem:$0x10200] =	vst v63  }
0x5f: {  	s28 =	simm.s32 $0x6A00;
	s12 =	simm.s32 $0x0;
	s15 =	simm.s32 $0xFA00  }
0x60: {  	[tilespmem:s24], [sflag:$0x2] =	stream.indirect_vreg.gather [hbm4b:s8+s3], $0x80, v3, vm0, $0xb8;
	[tilespmem:$0x10200] =	vst v63  }
0x61: {  	s16 =	simm.s32 $0x1A00;
	s17 =	simm.s32 $0x7200;
	s19 =	simm.s32 $0x2A00  }
0x62: {  	[tilespmem:s25], [sflag:$0x2] =	stream.indirect_vreg.gather [hbm4b:s9+s3], $0x80, v3, vm0, $0xb8;
	[tilespmem:$0x10200] =	vst v63  }
0x63: {  	s20 =	simm.s32 $0x3200;
	s21 =	simm.s32 $0x3A00;
	s23 =	simm.s32 $0x4A00  }
0x64: {  	[tilespmem:s26], [sflag:$0x2] =	stream.indirect_vreg.gather [hbm4b:s10+s3], $0x80, v3, vm0, $0xb8;
	[tilespmem:$0x10200] =	vst v63  }
0x65: {  	s24 =	simm.s32 $0x5200;
	s25 =	simm.s32 $0x5A00;
	s26 =	simm.s32 $0x7A00  }
0x66: {  	[tilespmem:s15], [sflag:$0x2] =	stream.indirect_vreg.gather [hbm4b:s11+s3], $0x80, v3, vm0, $0xb8;
	[tilespmem:$0x10200] =	vst v63  }
.LBB2_2:
0x67: {  	_ =	swait.ge [sflag:s29], $0x8000  }
0x68: {  	[sflag:s29] =	ssyncset.done $0x0  }
0x69: {  	s18 =	simm.s32 $0x200;
	[sflag:s29] =	ssyncadd.s32 $0xFFFF8000  }
0x6a: {  	[hbm4b:s1+s3] =	stream.linear.scatter [tilespmem:s18], [sflag:$0x3], $0x8000, $0x38;
	[tilespmem:$0x10200] =	vst v63  }
0x6b: {  	_ =	swait.ge [sflag:s30], $0x8000  }
0x6c: {  	[sflag:s30] =	ssyncset.done $0x0  }
0x6d: {  	s13 =	sshra.s32 s12, $0x2;
	[sflag:s30] =	ssyncadd.s32 $0xFFFF8000  }
0x6e: {  	v3 =	vld [tilespmem:s13+$0x20];
	_ =	sdelay $0x4  }
0x6f: {  	v4 =	vshll.u32 v3, $0x4  }
0x70: {  	v3 =	vand.u32 $0x7, v3;
	v4 =	vand.u32 $0xFFFFFF80, v4  }
0x71: {  	v3 =	vor.u32 v3, v4  }
0x72: {  	v4 =	vperm.xlane v3, v0;
	_ =	sdelay $0x1  }
0x73: {  	v4 =	vadd.s32 v1, v4;
	_ =	sdelay $0x4  }
0x74: {  	[tilespmem:s18], [sflag:$0x1] =	stream.indirect_vreg.gather [hbm4b:s2+s3], $0x80, v4, vm0, $0xb8;
	[tilespmem:$0x10200] =	vst v63  }
0x75: {  	_ = 	snop  }
0x76: {  	[tilespmem:s14], [sflag:$0x1] =	stream.indirect_vreg.gather [hbm4b:s5+s3], $0x80, v4, vm0, $0xb8;
	[tilespmem:$0x10200] =	vst v63  }
0x77: {  	s18 =	simm.s32 $0x1200  }
0x78: {  	[tilespmem:s18], [sflag:$0x1] =	stream.indirect_vreg.gather [hbm4b:s6+s3], $0x80, v4, vm0, $0xb8;
	[tilespmem:$0x10200] =	vst v63  }
0x79: {  	_ = 	snop  }
0x7a: {  	[tilespmem:s16], [sflag:$0x1] =	stream.indirect_vreg.gather [hbm4b:s7+s3], $0x80, v4, vm0, $0xb8;
	[tilespmem:$0x10200] =	vst v63  }
0x7b: {  	s22 =	simm.s32 $0x2200  }
0x7c: {  	[tilespmem:s22], [sflag:$0x1] =	stream.indirect_vreg.gather [hbm4b:s8+s3], $0x80, v4, vm0, $0xb8;
	[tilespmem:$0x10200] =	vst v63  }
0x7d: {  	v3 =	vperm.xlane v3, v2  }
0x7e: {  	[tilespmem:s19], [sflag:$0x1] =	stream.indirect_vreg.gather [hbm4b:s9+s3], $0x80, v4, vm0, $0xb8;
	[tilespmem:$0x10200] =	vst v63  }
0x7f: {  	v3 =	vadd.s32 v1, v3  }
0x80: {  	[tilespmem:s20], [sflag:$0x1] =	stream.indirect_vreg.gather [hbm4b:s10+s3], $0x80, v4, vm0, $0xb8;
	[tilespmem:$0x10200] =	vst v63  }
0x81: {  	_ = 	snop  }
0x82: {  	[tilespmem:s21], [sflag:$0x1] =	stream.indirect_vreg.gather [hbm4b:s11+s3], $0x80, v4, vm0, $0xb8;
	[tilespmem:$0x10200] =	vst v63  }
0x83: {  	s18 =	simm.s32 $0x4200  }
0x84: {  	[tilespmem:s18], [sflag:$0x1] =	stream.indirect_vreg.gather [hbm4b:s2+s3], $0x80, v3, vm0, $0xb8;
	[tilespmem:$0x10200] =	vst v63  }
0x85: {  	_ = 	snop  }
0x86: {  	[tilespmem:s23], [sflag:$0x1] =	stream.indirect_vreg.gather [hbm4b:s5+s3], $0x80, v3, vm0, $0xb8;
	[tilespmem:$0x10200] =	vst v63  }
0x87: {  	_ = 	snop  }
0x88: {  	[tilespmem:s24], [sflag:$0x1] =	stream.indirect_vreg.gather [hbm4b:s6+s3], $0x80, v3, vm0, $0xb8;
	[tilespmem:$0x10200] =	vst v63  }
0x89: {  	_ = 	snop  }
0x8a: {  	[tilespmem:s25], [sflag:$0x1] =	stream.indirect_vreg.gather [hbm4b:s7+s3], $0x80, v3, vm0, $0xb8;
	[tilespmem:$0x10200] =	vst v63  }
0x8b: {  	s22 =	simm.s32 $0x6200  }
0x8c: {  	[tilespmem:s22], [sflag:$0x1] =	stream.indirect_vreg.gather [hbm4b:s8+s3], $0x80, v3, vm0, $0xb8;
	[tilespmem:$0x10200] =	vst v63  }
0x8d: {  	_ = 	snop  }
0x8e: {  	[tilespmem:s28], [sflag:$0x1] =	stream.indirect_vreg.gather [hbm4b:s9+s3], $0x80, v3, vm0, $0xb8;
	[tilespmem:$0x10200] =	vst v63  }
0x8f: {  	_ = 	snop  }
0x90: {  	[tilespmem:s17], [sflag:$0x1] =	stream.indirect_vreg.gather [hbm4b:s10+s3], $0x80, v3, vm0, $0xb8;
	[tilespmem:$0x10200] =	vst v63  }
0x91: {  	_ = 	snop  }
0x92: {  	[tilespmem:s26], [sflag:$0x1] =	stream.indirect_vreg.gather [hbm4b:s11+s3], $0x80, v3, vm0, $0xb8;
	[tilespmem:$0x10200] =	vst v63  }
0x93: {  	_ =	swait.ge [sflag:s31], $0x8000  }
0x94: {  	[sflag:s31] =	ssyncset.done $0x0  }
0x95: {  	s18 =	sadd.s32 $0x1000, s1;
	s22 =	simm.s32 $0x8200;
	[sflag:s31] =	ssyncadd.s32 $0xFFFF8000  }
0x96: {  	[hbm4b:s18+s3] =	stream.linear.scatter [tilespmem:s22], [sflag:$0x4], $0x8000, $0x38;
	[tilespmem:$0x10200] =	vst v63  }
0x97: {  	_ =	swait.ge [sflag:s0], $0x8000  }
0x98: {  	[sflag:s0] =	ssyncset.done $0x0  }
0x99: {  	[sflag:s0] =	ssyncadd.s32 $0xFFFF8000  }
0x9a: {  	v3 =	vld [tilespmem:s13+$0x30];
	_ =	sdelay $0x4  }
0x9b: {  	v63 =	vshll.u32 v3, $0x4  }
0x9c: {  	v3 =	vand.u32 $0x7, v3;
	v4 =	vand.u32 $0xFFFFFF80, v63  }
0x9d: {  	v3 =	vor.u32 v3, v4  }
0x9e: {  	v4 =	vperm.xlane v3, v0;
	_ =	sdelay $0x1  }
0x9f: {  	v4 =	vadd.s32 v1, v4;
	_ =	sdelay $0x4  }
0xa0: {  	[tilespmem:s22], [sflag:$0x2] =	stream.indirect_vreg.gather [hbm4b:s2+s3], $0x80, v4, vm0, $0xb8;
	[tilespmem:$0x10200] =	vst v63  }
0xa1: {  	s22 =	simm.s32 $0x8A00  }
0xa2: {  	[tilespmem:s22], [sflag:$0x2] =	stream.indirect_vreg.gather [hbm4b:s5+s3], $0x80, v4, vm0, $0xb8;
	[tilespmem:$0x10200] =	vst v63  }
0xa3: {  	s22 =	simm.s32 $0x9200  }
0xa4: {  	[tilespmem:s22], [sflag:$0x2] =	stream.indirect_vreg.gather [hbm4b:s6+s3], $0x80, v4, vm0, $0xb8;
	[tilespmem:$0x10200] =	vst v63  }
0xa5: {  	s22 =	simm.s32 $0x9A00  }
0xa6: {  	[tilespmem:s22], [sflag:$0x2] =	stream.indirect_vreg.gather [hbm4b:s7+s3], $0x80, v4, vm0, $0xb8;
	[tilespmem:$0x10200] =	vst v63  }
0xa7: {  	s22 =	simm.s32 $0xA200  }
0xa8: {  	[tilespmem:s22], [sflag:$0x2] =	stream.indirect_vreg.gather [hbm4b:s8+s3], $0x80, v4, vm0, $0xb8;
	[tilespmem:$0x10200] =	vst v63  }
0xa9: {  	v3 =	vperm.xlane v3, v2;
	s22 =	simm.s32 $0xAA00  }
0xaa: {  	[tilespmem:s22], [sflag:$0x2] =	stream.indirect_vreg.gather [hbm4b:s9+s3], $0x80, v4, vm0, $0xb8;
	[tilespmem:$0x10200] =	vst v63  }
0xab: {  	v3 =	vadd.s32 v1, v3;
	s22 =	simm.s32 $0xB200  }
0xac: {  	[tilespmem:s22], [sflag:$0x2] =	stream.indirect_vreg.gather [hbm4b:s10+s3], $0x80, v4, vm0, $0xb8;
	[tilespmem:$0x10200] =	vst v63  }
0xad: {  	s22 =	simm.s32 $0xBA00  }
0xae: {  	[tilespmem:s22], [sflag:$0x2] =	stream.indirect_vreg.gather [hbm4b:s11+s3], $0x80, v4, vm0, $0xb8;
	[tilespmem:$0x10200] =	vst v63  }
0xaf: {  	s22 =	simm.s32 $0xC200  }
0xb0: {  	[tilespmem:s22], [sflag:$0x2] =	stream.indirect_vreg.gather [hbm4b:s2+s3], $0x80, v3, vm0, $0xb8;
	[tilespmem:$0x10200] =	vst v63  }
0xb1: {  	s22 =	simm.s32 $0xCA00  }
0xb2: {  	[tilespmem:s22], [sflag:$0x2] =	stream.indirect_vreg.gather [hbm4b:s5+s3], $0x80, v3, vm0, $0xb8;
	[tilespmem:$0x10200] =	vst v63  }
0xb3: {  	s22 =	simm.s32 $0xD200  }
0xb4: {  	[tilespmem:s22], [sflag:$0x2] =	stream.indirect_vreg.gather [hbm4b:s6+s3], $0x80, v3, vm0, $0xb8;
	[tilespmem:$0x10200] =	vst v63  }
0xb5: {  	s22 =	simm.s32 $0xDA00  }
0xb6: {  	[tilespmem:s22], [sflag:$0x2] =	stream.indirect_vreg.gather [hbm4b:s7+s3], $0x80, v3, vm0, $0xb8;
	[tilespmem:$0x10200] =	vst v63  }
0xb7: {  	s22 =	simm.s32 $0xE200  }
0xb8: {  	[tilespmem:s22], [sflag:$0x2] =	stream.indirect_vreg.gather [hbm4b:s8+s3], $0x80, v3, vm0, $0xb8;
	[tilespmem:$0x10200] =	vst v63  }
0xb9: {  	p0 =	sne.s32 s12, $0x700;
	s22 =	simm.s32 $0xEA00  }
0xba: {  	[tilespmem:s22], [sflag:$0x2] =	stream.indirect_vreg.gather [hbm4b:s9+s3], $0x80, v3, vm0, $0xb8;
	[tilespmem:$0x10200] =	vst v63  }
.Ltmp0:
0xbb: {  	_ = 	snop;
	(pc) =	sbr.rel @p0 .LBB2_2-.Ltmp0, $4  }
0xbc: {  	s4 =	simm.s32 $0x200;
	s12 =	sadd.s32 $0x80, s12;
	s22 =	simm.s32 $0xF200  }
0xbd: {  	[tilespmem:s22], [sflag:$0x2] =	stream.indirect_vreg.gather [hbm4b:s10+s3], $0x80, v3, vm0, $0xb8;
	[tilespmem:$0x10200] =	vst v63  }
0xbe: {  	s14 =	simm.s32 $0xA00;
	s1 =	sadd.s32 $0x2000, s1;
	s18 =	simm.s32 $0x8200  }
0xbf: {  	[tilespmem:s15], [sflag:$0x2] =	stream.indirect_vreg.gather [hbm4b:s11+s3], $0x80, v3, vm0, $0xb8;
	[tilespmem:$0x10200] =	vst v63  }
0xc0: {  	_ =	swait.ge [sflag:s29], $0x8000  }
0xc1: {  	[sflag:s29] =	ssyncset.done $0x0  }
0xc2: {  	s1 =	rddreg [dreg:$0x5];
	[sflag:s29] =	ssyncadd.s32 $0xFFFF8000  }
0xc3: {  	[hbm4b:s1+s3] =	stream.linear.scatter [tilespmem:s4], [sflag:$0x3], $0x8000, $0x38;
	[tilespmem:$0x10200] =	vst v63  }
0xc4: {  	_ =	swait.ge [sflag:s30], $0x8000  }
0xc5: {  	[sflag:s30] =	ssyncset.done $0x0  }
0xc6: {  	[sflag:s30] =	ssyncadd.s32 $0xFFFF8000  }
0xc7: {  	_ =	swait.ge [sflag:s31], $0x8000  }
0xc8: {  	[sflag:s31] =	ssyncset.done $0x0  }
0xc9: {  	s25 =	rddreg [dreg:$0x6];
	[sflag:s31] =	ssyncadd.s32 $0xFFFF8000  }
0xca: {  	[hbm4b:s25+s3] =	stream.linear.scatter [tilespmem:s18], [sflag:$0x4], $0x8000, $0x38;
	[tilespmem:$0x10200] =	vst v63  }
0xcb: {  	_ =	swait.ge [sflag:s0], $0x8000  }
0xcc: {  	s12 =	rddreg [dreg:$0x9]  }
0xcd: {  	s13 =	simm.s32 $0x1A00;
	s26 =	rddreg [dreg:$0x7];
	s12 =	sadd.s32 $0x1, s12  }
0xce: {  	s15 =	simm.s32 $0x2200;
	s16 =	simm.s32 $0x2A00;
	p0 =	sne.s32 s12, s26  }
.Ltmp1:
0xcf: {  	s19 =	simm.s32 $0x3A00;
	s20 =	simm.s32 $0x4200;
	(pc) =	sbr.rel @p0 .LBB2_1-.Ltmp1, $4  }
0xd0: {  	s21 =	simm.s32 $0x4A00;
	s22 =	simm.s32 $0x5200;
	s23 =	simm.s32 $0x5A00  }
0xd1: {  	s24 =	simm.s32 $0x6200;
	s17 =	simm.s32 $0x7200;
	[sflag:s0] =	ssyncset.done $0x0  }
0xd2: {  	s28 =	simm.s32 $0x7A00;
	s25 =	simm.s32 $0x6A00;
	[sflag:s0] =	ssyncadd.s32 $0xFFFF8000  }
0xd3: {  	[dreg:$0x9] =	wrdreg s12;
	s12 =	simm.s32 $0x1200;
	s26 =	simm.s32 $0x3200  }
0xd4: {  	_ =	sfence.sel $0x180000  }
0xd5: {  	[bflag:$0x0] =	sbarrier.arrive $0xFFFF  }
0xd6: {  	_ =	strace $0x90000047  }
0xd7: {  	s0 =	stileid.u32;
	[bflag:$0x2] =	sbarrier.arrive $0xFFFF  }
0xd8: {  	p0 =	sne.s32 s0, $0x0;
	s0 =	rddreg [dreg:$0x3]  }
0xd9: {  	s0 =	sadd.s32 @!p0 $0x100000, s0  }
0xda: {  	[sflag:s0] =	ssyncadd.tile.s32 @!p0 $0x1;
	_ =	shalt  }
.Lfunc_end2:
_tile_overlayer_lowered:
.L_overlay_start_2:
0xdb: {  	(tag) =	ssettag $0x2  }
0xdc: {  	s0 =	rddreg [dreg:$0x0];
	s2 =	stileid.u32  }
0xdd: {  	s1 =	rddreg [dreg:$0x1];
	p0 =	sne.s32 s2, $0x0  }
0xde: {  	s3 =	rddreg [dreg:$0x2];
	[bflag:$0x3] =	sbarrier.arrive $0xFFFF;
	s2 =	simm.s32 @!p0 $0x1C05  }
0xdf: {  	[timem:s3], [sflag:s2] =	dma.local @!p0 [hbm:s0], s1  }
0xe0: {  	s0 =	simm.s32 @!p0 $0x5  }
0xe1: {  	_ =	swait.ge @!p0 [sflag:s0], s1  }
0xe2: {  	s1 =	ssub.s32 @!p0 $0x0, s1;
	[sflag:s0] =	ssyncset.done @!p0 $0x0  }
0xe3: {  	[sflag:s0] =	ssyncadd.s32 @!p0 s1  }
0xe4: {  	[bflag:$0x3] =	sbarrier.arrive $0xFFFF  }
0xe5: {  	_ =	shalt  }

</sc_bundles>
